<compile_context>
chip_gen: v7x
topology: tpu7x:2x2x1
jax: 0.10.2.dev20260603
libtpu: 0.0.44.dev20260713+nightly
codegen_flags: <defaults>
</compile_context>

<pallas_src>
import functools

import jax
import jax.numpy as jnp
from jax import lax
from jax.experimental import pallas as pl
from jax.experimental.pallas import tpu as pltpu
from jax.experimental.pallas import tpu_sc as plsc

N_NODES = 10000
N_EDGES = 320000
D_FEAT = 128
HIDDEN = 3
N_CLASSES = 10

NC = 2
NS = 16
NW = NC * NS
VL = 16
N_PAD = 10240
EPW = N_EDGES // NW
EPW_2VL = (EPW // (2 * VL)) * (2 * VL)
NP3 = HIDDEN * N_PAD
PAYW_T = 4

_MESH = plsc.VectorSubcoreMesh(core_axis_name="c", subcore_axis_name="s")
_SC_PARAMS = pltpu.CompilerParams(use_tc_tiling_on_sc=False,
                                  needs_layout_passes=False)


@jax.jit
def _sc_histogram(ei):

    @functools.partial(
        pl.kernel,
        out_type=jax.ShapeDtypeStruct((NW * N_PAD,), jnp.float32),
        mesh=_MESH,
        compiler_params=_SC_PARAMS,
        scratch_types=[
            pltpu.VMEM((EPW,), jnp.int32),
            pltpu.VMEM((N_PAD,), jnp.float32),
            pltpu.SemaphoreType.DMA,
        ],
    )
    def histo(ei_hbm, out_hbm, idx_v, deg_v, sem):
        c = lax.axis_index("c")
        s = lax.axis_index("s")
        wid = s * NC + c
        cp = pltpu.async_copy(
            ei_hbm.at[pl.ds(N_EDGES + wid * EPW, EPW)], idx_v, sem)

        @pl.loop(0, N_PAD, step=4 * VL)
        def _(i):
            for u in range(4):
                deg_v[pl.ds(i + u * VL, VL)] = jnp.zeros((VL,), jnp.float32)

        cp.wait()

        ones = jnp.ones((VL,), jnp.float32)

        @pl.loop(0, EPW_2VL, step=2 * VL)
        def _(i):
            d16a = idx_v[pl.ds(i, VL)]
            d16b = idx_v[pl.ds(i + VL, VL)]
            plsc.addupdate_scatter(deg_v, [d16a], ones)
            plsc.addupdate_scatter(deg_v, [d16b], ones)

        @pl.loop(EPW_2VL, EPW, step=VL)
        def _(i):
            plsc.addupdate_scatter(deg_v, [idx_v[pl.ds(i, VL)]], ones)

        pltpu.sync_copy(deg_v, out_hbm.at[pl.ds(wid * N_PAD, N_PAD)])

    return histo(ei)


@jax.jit
def _sc_gather_scatter(ei, yflat):

    @functools.partial(
        pl.kernel,
        out_type=jax.ShapeDtypeStruct((HIDDEN * NW * N_PAD,), jnp.float32),
        mesh=_MESH,
        compiler_params=_SC_PARAMS,
        scratch_types=[
            pltpu.VMEM((EPW,), jnp.int32),
            pltpu.VMEM((EPW,), jnp.int32),
            pltpu.VMEM((NP3,), jnp.float32),
            pltpu.VMEM((NP3,), jnp.float32),
            pltpu.VMEM_SHARED((NP3,), jnp.float32),
            pltpu.SemaphoreType.DMA,
            pltpu.SemaphoreType.DMA,
        ],
    )
    def gscat(ei_hbm, y_hbm, out_hbm, si_v, di_v, y_v, acc_v, y_sh,
              sem1, sem2):
        c = lax.axis_index("c")
        s = lax.axis_index("s")
        wid = s * NC + c

        @pl.when(s == 0)
        def _():
            pltpu.sync_copy(y_hbm, y_sh)

        cp1 = pltpu.async_copy(ei_hbm.at[pl.ds(wid * EPW, EPW)], si_v, sem1)
        cp2 = pltpu.async_copy(
            ei_hbm.at[pl.ds(N_EDGES + wid * EPW, EPW)], di_v, sem2)

        @pl.loop(0, NP3, step=4 * VL)
        def _(i):
            for u in range(4):
                acc_v[pl.ds(i + u * VL, VL)] = jnp.zeros((VL,), jnp.float32)

        cp1.wait()
        cp2.wait()
        plsc.subcore_barrier()
        pltpu.sync_copy(y_sh, y_v)

        @pl.loop(0, EPW_2VL, step=2 * VL)
        def _(i):
            s16a = si_v[pl.ds(i, VL)]
            d16a = di_v[pl.ds(i, VL)]
            s16b = si_v[pl.ds(i + VL, VL)]
            d16b = di_v[pl.ds(i + VL, VL)]
            for k in range(HIDDEN):
                va = plsc.load_gather(y_v, [s16a + (k * N_PAD)])
                plsc.addupdate_scatter(acc_v, [d16a + (k * N_PAD)], va)
            for k in range(HIDDEN):
                vb = plsc.load_gather(y_v, [s16b + (k * N_PAD)])
                plsc.addupdate_scatter(acc_v, [d16b + (k * N_PAD)], vb)

        @pl.loop(EPW_2VL, EPW, step=VL)
        def _(i):
            s16 = si_v[pl.ds(i, VL)]
            d16 = di_v[pl.ds(i, VL)]
            for k in range(HIDDEN):
                v = plsc.load_gather(y_v, [s16 + (k * N_PAD)])
                plsc.addupdate_scatter(acc_v, [d16 + (k * N_PAD)], v)

        for k in range(HIDDEN):
            pltpu.sync_copy(
                acc_v.at[pl.ds(k * N_PAD, N_PAD)],
                out_hbm.at[pl.ds((k * NW + wid) * N_PAD, N_PAD)])

    return gscat(ei, yflat)


def _tc_xw(x_pad, W4):
    def body(x_ref, w_ref, xw_ref):
        xw_ref[...] = lax.dot_general(
            w_ref[...], x_ref[...],
            dimension_numbers=(((0,), (1,)), ((), ())),
            preferred_element_type=jnp.float32)

    return pl.pallas_call(
        body,
        out_shape=jax.ShapeDtypeStruct((PAYW_T, N_PAD), jnp.float32),
    )(x_pad, W4)


def _tc_norm(xwT, degp2):
    def body(xw_ref, degp_ref, y_ref, dis_ref):
        deg = 1.0 + jnp.sum(degp_ref[...], axis=0, keepdims=True)
        dis = lax.rsqrt(deg)
        y_ref[...] = xw_ref[...] * dis
        dis_ref[...] = dis

    return pl.pallas_call(
        body,
        out_shape=[
            jax.ShapeDtypeStruct((PAYW_T, N_PAD), jnp.float32),
            jax.ShapeDtypeStruct((1, N_PAD), jnp.float32),
        ],
    )(xwT, degp2)


def _tc_final(accp, yT, disT, bgT, W_out, boT):
    def body(accp_ref, y_ref, dis_ref, bg_ref, wo_ref, bo_ref, h_ref, z_ref):
        parts = [
            jnp.sum(accp_ref[pl.ds(k * NW, NW), :], axis=0, keepdims=True)
            for k in range(HIDDEN)
        ]
        acc = jnp.concatenate(parts, axis=0)
        agg = dis_ref[...] * (acc + y_ref[pl.ds(0, HIDDEN), :])
        h = jnp.maximum(agg + bg_ref[...], 0.0)
        h_ref[...] = h
        z_ref[...] = lax.dot_general(
            wo_ref[...], h,
            dimension_numbers=(((0,), (0,)), ((), ())),
            preferred_element_type=jnp.float32) + bo_ref[...]

    return pl.pallas_call(
        body,
        out_shape=[
            jax.ShapeDtypeStruct((HIDDEN, N_PAD), jnp.float32),
            jax.ShapeDtypeStruct((N_CLASSES, N_PAD), jnp.float32),
        ],
    )(accp, yT, disT, bgT, W_out, boT)


def kernel(x, edge_index, W_gcn, b_gcn, W_out, b_out):
    ei = edge_index.astype(jnp.int32).reshape(2 * N_EDGES)
    x_pad = jnp.pad(x, ((0, N_PAD - N_NODES), (0, 0)))
    W4 = jnp.pad(W_gcn, ((0, 0), (0, PAYW_T - HIDDEN)))
    bgT = b_gcn.reshape(HIDDEN, 1)
    boT = b_out.reshape(N_CLASSES, 1)

    degp = _sc_histogram(ei)
    xwT = _tc_xw(x_pad, W4)
    degp2 = degp.reshape(NW, N_PAD)
    yT, disT = _tc_norm(xwT, degp2)
    yflat = yT[:HIDDEN].reshape(NP3)
    accp = _sc_gather_scatter(ei, yflat)
    accp2 = accp.reshape(HIDDEN * NW, N_PAD)
    hT, zT = _tc_final(accp2, yT, disT, bgT, W_out, boT)

    return hT[:, :N_NODES].T, zT[:, :N_NODES].T

# --- scband reference (transcript-rebuilt; emitter-appended) ---
"""Pipeline reference for scband-gcn-22067541967745 (READ-ONLY COPY).

The authoritative reference and input builder live on the scoring server;
editing this copy changes nothing except your own understanding.
"""

import jax, jax.numpy as jnp
import numpy as np

N_NODES = 10000
N_EDGES = 320000
D_FEAT = 128
HIDDEN = 3
N_CLASSES = 10


def setup_inputs(seed: int = 0) -> dict:
    key = jax.random.key(seed)
    k1, k2, k3, k4, k5, k6 = jax.random.split(key, 6)
    x = jax.random.normal(k1, (N_NODES, D_FEAT), dtype=jnp.float32)
    edge_index = jax.random.randint(k2, (2, N_EDGES), 0, N_NODES, dtype=jnp.int64)
    # GCNConv parameters (in_channels=D_FEAT, out_channels=HIDDEN)
    W_gcn = jax.random.normal(k3, (D_FEAT, HIDDEN), dtype=jnp.float32) * (1.0 / np.sqrt(D_FEAT))
    b_gcn = jnp.zeros((HIDDEN,), dtype=jnp.float32)
    # Output Linear(HIDDEN, N_CLASSES)
    W_out = jax.random.normal(k4, (HIDDEN, N_CLASSES), dtype=jnp.float32) * (1.0 / np.sqrt(HIDDEN))
    b_out = jnp.zeros((N_CLASSES,), dtype=jnp.float32)
    return {"x": x, "edge_index": edge_index, "W_gcn": W_gcn, "b_gcn": b_gcn, "W_out": W_out, "b_out": b_out}


def reference(x, edge_index, W_gcn, b_gcn, W_out, b_out):
    N = x.shape[0]
    # GCNConv: add self-loops, symmetric normalization, transform, aggregate
    loop = jnp.arange(N, dtype=edge_index.dtype)
    src = jnp.concatenate([edge_index[0], loop])
    dst = jnp.concatenate([edge_index[1], loop])
    deg = jnp.zeros((N,), dtype=jnp.float32).at[dst].add(1.0)
    deg_inv_sqrt = deg ** -0.5  # deg >= 1 thanks to self-loops
    norm = deg_inv_sqrt[src] * deg_inv_sqrt[dst]
    xw = x @ W_gcn
    msgs = xw[src] * norm[:, None]
    agg = jnp.zeros((N, xw.shape[1]), dtype=jnp.float32).at[dst].add(msgs)
    h = jax.nn.relu(agg + b_gcn)
    z = h @ W_out + b_out
    return (h, z)

if __name__ == "__main__":
    import jax
    _d = setup_inputs()
    print(jax.jit(kernel)(*tuple(_d.values())))

</pallas_src>

<mosaic_0001>
#map = affine_map<(d0, d1) -> (0)>
module attributes {stable_mosaic.version = 14 : i64} {
  func.func @histo(%arg0: i32, %arg1: i32, %arg2: memref<640000xi32, #tpu.memory_space<hbm>>, %arg3: memref<327680xf32, #tpu.memory_space<hbm>>, %arg4: memref<10000xi32, #tpu.memory_space<vmem>>, %arg5: memref<10240xf32, #tpu.memory_space<vmem>>, %arg6: memref<!tpu.dma_semaphore, #tpu.memory_space<semaphore_mem>>) attributes {dimension_semantics = [#tpu.dimension_semantics<core_parallel>, #tpu.dimension_semantics<subcore_parallel>], iteration_bounds = array<i64: 2, 16>, scalar_prefetch = 0 : i64, scratch_operands = 3 : i64, tpu.core_type = #tpu.core_type<sc_vector_subcore>, window_params = [{transform_indices = #map}, {transform_indices = #map}]} {
    %mul3A = arith.constant 2 : i32
    %mul3A_0 = arith.muli %arg1, %mul3A : i32
    %add3A = arith.addi %mul3A_0, %arg0 : i32
    %mul3A_1 = arith.constant 10000 : i32
    %mul3A_2 = arith.muli %add3A, %mul3A_1 : i32
    %add3A_3 = arith.constant 320000 : i32
    %add3A_4 = arith.addi %add3A_3, %mul3A_2 : i32
    %dma_start3A = tpu.memref_slice %arg2[%add3A_4] : memref<640000xi32, #tpu.memory_space<hbm>> -> memref<10000xi32, #tpu.memory_space<hbm>>
    %dma_start3A_5 = tpu.memref_slice %arg2[%add3A_4] : memref<640000xi32, #tpu.memory_space<hbm>> -> memref<10000xi32, #tpu.memory_space<hbm>>
    tpu.enqueue_dma source(%dma_start3A_5 : memref<10000xi32, #tpu.memory_space<hbm>>) target(%arg4 : memref<10000xi32, #tpu.memory_space<vmem>>) target_semaphore(%arg6 : memref<!tpu.dma_semaphore, #tpu.memory_space<semaphore_mem>>)
    %scan3A = arith.constant 0 : i32
    %scan3A_6 = arith.constant 160 : i32
    %scan3A_7 = arith.addi %scan3A, %scan3A_6 : i32
    %scan3A_8 = arith.constant 1 : i32
    scf.for %scan3A_26 = %scan3A to %scan3A_7 step %scan3A_8  : i32 {
      %mul3A_27 = arith.constant 64 : i32
      %mul3A_28 = arith.muli %scan3A_26, %mul3A_27 : i32
      %add3A_29 = arith.constant 0 : i32
      %add3A_30 = arith.addi %add3A_29, %mul3A_28 : i32
      %broadcast_in_dim3A_31 = arith.constant 0.000000e+00 : f32
      %broadcast_in_dim3A_32 = vector.broadcast %broadcast_in_dim3A_31 : f32 to vector<16xf32>
      %add3A_33 = arith.constant 0 : i32
      %add3A_34 = arith.addi %add3A_30, %add3A_33 : i32
      %swap3A = arith.index_cast %add3A_34 : i32 to index
      %swap3A_35 = tpu.vector_load %arg5[%swap3A] {strides = array<i32>} : memref<10240xf32, #tpu.memory_space<vmem>>, vector<16xf32>,
      tpu.vector_store %arg5[%swap3A], %broadcast_in_dim3A_32 {strides = array<i32>} : memref<10240xf32, #tpu.memory_space<vmem>>, vector<16xf32>,
      %broadcast_in_dim3A_36 = arith.constant 0.000000e+00 : f32
      %broadcast_in_dim3A_37 = vector.broadcast %broadcast_in_dim3A_36 : f32 to vector<16xf32>
      %add3A_38 = arith.constant 16 : i32
      %add3A_39 = arith.addi %add3A_30, %add3A_38 : i32
      %swap3A_40 = arith.index_cast %add3A_39 : i32 to index
      %swap3A_41 = tpu.vector_load %arg5[%swap3A_40] {strides = array<i32>} : memref<10240xf32, #tpu.memory_space<vmem>>, vector<16xf32>,
      tpu.vector_store %arg5[%swap3A_40], %broadcast_in_dim3A_37 {strides = array<i32>} : memref<10240xf32, #tpu.memory_space<vmem>>, vector<16xf32>,
      %broadcast_in_dim3A_42 = arith.constant 0.000000e+00 : f32
      %broadcast_in_dim3A_43 = vector.broadcast %broadcast_in_dim3A_42 : f32 to vector<16xf32>
      %add3A_44 = arith.constant 32 : i32
      %add3A_45 = arith.addi %add3A_30, %add3A_44 : i32
      %swap3A_46 = arith.index_cast %add3A_45 : i32 to index
      %swap3A_47 = tpu.vector_load %arg5[%swap3A_46] {strides = array<i32>} : memref<10240xf32, #tpu.memory_space<vmem>>, vector<16xf32>,
      tpu.vector_store %arg5[%swap3A_46], %broadcast_in_dim3A_43 {strides = array<i32>} : memref<10240xf32, #tpu.memory_space<vmem>>, vector<16xf32>,
      %broadcast_in_dim3A_48 = arith.constant 0.000000e+00 : f32
      %broadcast_in_dim3A_49 = vector.broadcast %broadcast_in_dim3A_48 : f32 to vector<16xf32>
      %add3A_50 = arith.constant 48 : i32
      %add3A_51 = arith.addi %add3A_30, %add3A_50 : i32
      %swap3A_52 = arith.index_cast %add3A_51 : i32 to index
      %swap3A_53 = tpu.vector_load %arg5[%swap3A_52] {strides = array<i32>} : memref<10240xf32, #tpu.memory_space<vmem>>, vector<16xf32>,
      tpu.vector_store %arg5[%swap3A_52], %broadcast_in_dim3A_49 {strides = array<i32>} : memref<10240xf32, #tpu.memory_space<vmem>>, vector<16xf32>,
    }
    %scan3A_9 = arith.constant 160 : i32
    %dma_wait3A = tpu.memref_slice %arg2[%add3A_4] : memref<640000xi32, #tpu.memory_space<hbm>> -> memref<10000xi32, #tpu.memory_space<hbm>>
    %dma_wait3A_10 = tpu.memref_slice %arg2[%add3A_4] : memref<640000xi32, #tpu.memory_space<hbm>> -> memref<10000xi32, #tpu.memory_space<hbm>>
    tpu.wait_dma2 semaphore(%arg6 : memref<!tpu.dma_semaphore, #tpu.memory_space<semaphore_mem>>) src(%dma_wait3A_10 : memref<10000xi32, #tpu.memory_space<hbm>>) dst(%arg4 : memref<10000xi32, #tpu.memory_space<vmem>>)
    %broadcast_in_dim3A = arith.constant 1.000000e+00 : f32
    %broadcast_in_dim3A_11 = vector.broadcast %broadcast_in_dim3A : f32 to vector<16xf32>
    %scan3A_12 = arith.constant 0 : i32
    %scan3A_13 = arith.constant 312 : i32
    %scan3A_14 = arith.addi %scan3A_12, %scan3A_13 : i32
    %scan3A_15 = arith.constant 1 : i32
    scf.for %scan3A_26 = %scan3A_12 to %scan3A_14 step %scan3A_15  : i32 {
      %mul3A_27 = arith.constant 32 : i32
      %mul3A_28 = arith.muli %scan3A_26, %mul3A_27 : i32
      %add3A_29 = arith.constant 0 : i32
      %add3A_30 = arith.addi %add3A_29, %mul3A_28 : i32
      %get3A_31 = arith.index_cast %add3A_30 : i32 to index
      %get3A_32 = tpu.vector_load %arg4[%get3A_31] {strides = array<i32>} : memref<10000xi32, #tpu.memory_space<vmem>>, vector<16xi32>,
      %add3A_33 = arith.constant 16 : i32
      %add3A_34 = arith.addi %add3A_30, %add3A_33 : i32
      %get3A_35 = arith.index_cast %add3A_34 : i32 to index
      %get3A_36 = tpu.vector_load %arg4[%get3A_35] {strides = array<i32>} : memref<10000xi32, #tpu.memory_space<vmem>>, vector<16xi32>,
      tpu.vector_store_idx %arg5[%get3A_32], %broadcast_in_dim3A_11 {add = true} : memref<10240xf32, #tpu.memory_space<vmem>>[vector<16xi32>], vector<16xf32>,
      tpu.vector_store_idx %arg5[%get3A_36], %broadcast_in_dim3A_11 {add = true} : memref<10240xf32, #tpu.memory_space<vmem>>[vector<16xi32>], vector<16xf32>,
    }
    %scan3A_16 = arith.constant 312 : i32
    %scan3A_17 = arith.constant 0 : i32
    %mul3A_18 = arith.constant 16 : i32
    %mul3A_19 = arith.muli %scan3A_17, %mul3A_18 : i32
    %add3A_20 = arith.constant 9984 : i32
    %add3A_21 = arith.addi %add3A_20, %mul3A_19 : i32
    %get3A = arith.index_cast %add3A_21 : i32 to index
    %get3A_22 = tpu.vector_load %arg4[%get3A] {strides = array<i32>} : memref<10000xi32, #tpu.memory_space<vmem>>, vector<16xi32>,
    tpu.vector_store_idx %arg5[%get3A_22], %broadcast_in_dim3A_11 {add = true} : memref<10240xf32, #tpu.memory_space<vmem>>[vector<16xi32>], vector<16xf32>,
    %scan3A_23 = arith.constant 1 : i32
    %mul3A_24 = arith.constant 10240 : i32
    %mul3A_25 = arith.muli %add3A, %mul3A_24 : i32
    "tpu.region"() ({
      %run_scoped3A = tpu.sem_alloc : memref<!tpu.dma_semaphore, #tpu.memory_space<semaphore_mem>>
      %dma_start3A_26 = tpu.memref_slice %arg3[%mul3A_25] : memref<327680xf32, #tpu.memory_space<hbm>> -> memref<10240xf32, #tpu.memory_space<hbm>>
      %dma_start3A_27 = tpu.memref_slice %arg3[%mul3A_25] : memref<327680xf32, #tpu.memory_space<hbm>> -> memref<10240xf32, #tpu.memory_space<hbm>>
      tpu.enqueue_dma source(%arg5 : memref<10240xf32, #tpu.memory_space<vmem>>) target(%dma_start3A_27 : memref<10240xf32, #tpu.memory_space<hbm>>) target_semaphore(%run_scoped3A : memref<!tpu.dma_semaphore, #tpu.memory_space<semaphore_mem>>)
      %dma_wait3A_28 = tpu.memref_slice %arg3[%mul3A_25] : memref<327680xf32, #tpu.memory_space<hbm>> -> memref<10240xf32, #tpu.memory_space<hbm>>
      %dma_wait3A_29 = tpu.memref_slice %arg3[%mul3A_25] : memref<327680xf32, #tpu.memory_space<hbm>> -> memref<10240xf32, #tpu.memory_space<hbm>>
      tpu.wait_dma2 semaphore(%run_scoped3A : memref<!tpu.dma_semaphore, #tpu.memory_space<semaphore_mem>>) src(%arg5 : memref<10240xf32, #tpu.memory_space<vmem>>) dst(%dma_wait3A_29 : memref<10240xf32, #tpu.memory_space<hbm>>)
      tpu.yield
    }) : () -> ()
    return
  }
}

</mosaic_0001>

<sc_bundles>
// kernel: _sc_histogram.3.cloned.1.call-start
scs
__scs_entry_jumppad:
0x0: {  	(pc) =	sbr.rel $0x88, $3  }
0x1: {  	(tag) =	ssettag $0x0;
	lr =	simm.s32 $0x1  }
0x2: {  	[smem:$0x3FA0] =	sst lr;
	_ =	strace $0xD0000000  }
0x3: {  	_ = 	snop  }
0x4: {  	_ = 	snop  }
0x5: {  	_ = 	snop  }
0x6: {  	_ = 	snop  }
0x7: {  	_ = 	snop  }
__scs_overlays_trampoline_lowered:
0x8: {  	[smem:$0x3FAF] =	sst s0  }
0x9: {  	[smem:$0x3FB0] =	sst s1  }
0xa: {  	[smem:$0x3FB1] =	sst s2  }
0xb: {  	[smem:$0x3FB2] =	sst s3  }
0xc: {  	[smem:$0x3FB3] =	sst s4  }
0xd: {  	[smem:$0x3FB4] =	sst s5  }
0xe: {  	[smem:$0x3FB5] =	sst s6  }
0xf: {  	[smem:$0x3FB6] =	sst s7  }
0x10: {  	[smem:$0x3FB7] =	sst s8  }
0x11: {  	[smem:$0x3FB8] =	sst s9;
	s0 =	simm.s32 @!p0 $0x0  }
0x12: {  	s1 =	sld [smem:$0x3F9E];
	s0 =	simm.s32 @p0 $0x1  }
0x13: {  	[smem:$0x3FB9] =	sst s0;
	s0 =	simm.s32 @!p1 $0x0  }
0x14: {  	s2 =	sld [smem:$0x3F9D];
	s0 =	simm.s32 @p1 $0x1  }
0x15: {  	[smem:$0x3FBA] =	sst s0;
	s0 =	simm.s32 @!p2 $0x0  }
0x16: {  	s3 =	sld [smem:$0x3FDB];
	s0 =	simm.s32 @p2 $0x1  }
0x17: {  	s4 =	simm.s32 $0x1BF5;
	[smem:$0x3FBC] =	sst s0  }
0x18: {  	s0 =	sld [smem:$0x3F9F];
	_ =	swait.ge [sflag:s4], $0x0  }
0x19: {  	s7 =	sld [smem:$0x3FA0]  }
0x1a: {  	s8 =	sadd.s32 $0xFFFFE003, lr  }
0x1b: {  	s9 =	sadd.s32 $0xFFFFFEF7, lr;
	s5 =	simm.s32 $0xFFFFFFFF;
	p2 =	slt.u32 s8, $0xFFFFF086  }
0x1c: {  	p1 =	slt.u32 s9, $0xF7A;
	s5 =	simm.s32 @!p2 $0x0  }
0x1d: {  	s5 =	simm.s32 @p1 $0x1;
	p0 =	seq.s32 s7, s2  }
0x1e: {  	s7 =	smul.u32 @!p0 $0xF7A, s2;
	p2 =	seq.s32 @!p0 s5, $0x0  }
0x1f: {  	s9 =	smul.u32 $0xF7A, s1;
	s8 =	simm.s32 @!p0 $0x1BF5;
	p2 =	por !p2, p0  }
0x20: {  	[sflag:s8] =	ssyncset.s32 @!p0 $0xFFFFF086;
	s6 =	sadd.s32 @!p0 s3, s7;
	s7 =	simm.s32 @!p0 $0x108  }
0x21: {  	s3 =	sadd.s32 s3, s9;
	s6 =	sadd.s32 @!p0 $0x88, s6;
	s7 =	simm.s32 @p2 $0x1082  }
0x22: {  	[simem:s7], [sflag:s8] =	dma.local @!p0 [hbm:s6], $0xF7A  }
0x23: {  	s9 =	sor.u32 $0xD0000000, s2;
	s6 =	simm.s32 $0x108;
	_ =	swait.ge @!p0 [sflag:s8], $0x0  }
0x24: {  	s3 =	sadd.s32 $0x88, s3;
	s6 =	simm.s32 @!p1 $0x1082;
	[sflag:s4] =	ssyncset.s32 $0xFFFFF086  }
0x25: {  	[simem:s6], [sflag:s4] =	dma.local [hbm:s3], $0xF7A  }
0x26: {  	[smem:$0x3FA0] =	sst s1;
	(tag) =	ssettag s2;
	_ =	strace s9  }
0x27: {  	s1 =	sld [smem:$0x3FB0]  }
0x28: {  	s2 =	sld [smem:$0x3FB1]  }
0x29: {  	s4 =	sld [smem:$0x3FB3]  }
0x2a: {  	p0 =	seq.s32 s5, $0x0;
	s5 =	sld [smem:$0x3FB4]  }
0x2b: {  	s6 =	sld [smem:$0x3FB5]  }
0x2c: {  	s7 =	sld [smem:$0x3FB6]  }
0x2d: {  	s3 =	simm.s32 $0x108;
	s8 =	sld [smem:$0x3FB7]  }
0x2e: {  	s3 =	simm.s32 @!p0 $0x1082;
	s9 =	sld [smem:$0x3FB8]  }
0x2f: {  	lr =	sadd.s32 s0, s3;
	s0 =	sld [smem:$0x3FAF]  }
0x30: {  	s3 =	sld [smem:$0x3FB2]  }
0x31: {  	[smem:$0x3FBB] =	sst s10  }
0x32: {  	s10 =	sld [smem:$0x3FB9];
	_ =	sdelay $0x3  }
0x33: {  	p0 =	seq.s32 s10, $0x1;
	s10 =	sld [smem:$0x3FBB];
	_ =	sdelay $0x3  }
0x34: {  	[smem:$0x3FBB] =	sst s10  }
0x35: {  	s10 =	sld [smem:$0x3FBA];
	_ =	sdelay $0x3  }
0x36: {  	p1 =	seq.s32 s10, $0x1;
	s10 =	sld [smem:$0x3FBB];
	_ =	sdelay $0x3  }
0x37: {  	[smem:$0x3FBB] =	sst s10  }
0x38: {  	s10 =	sld [smem:$0x3FBC]  }
0x39: {  	_ = 	snop;
	(pc) =	sbr.ind lr, $3  }
0x3a: {  	_ = 	snop  }
0x3b: {  	_ = 	snop  }
0x3c: {  	p2 =	seq.s32 s10, $0x1;
	s10 =	sld [smem:$0x3FBB]  }
0x3d: {  	_ =	shalt  }
0x3e: {  	_ =	shalt  }
0x3f: {  	_ =	shalt  }
0x40: {  	_ =	shalt  }
0x41: {  	_ =	shalt  }
0x42: {  	_ =	shalt  }
0x43: {  	_ =	shalt  }
0x44: {  	_ =	shalt  }
0x45: {  	_ =	shalt  }
0x46: {  	_ =	shalt  }
0x47: {  	_ =	shalt  }
0x48: {  	_ =	shalt  }
0x49: {  	_ =	shalt  }
0x4a: {  	_ =	shalt  }
0x4b: {  	_ =	shalt  }
0x4c: {  	_ =	shalt  }
0x4d: {  	_ =	shalt  }
0x4e: {  	_ =	shalt  }
0x4f: {  	_ =	shalt  }
0x50: {  	_ =	shalt  }
0x51: {  	_ =	shalt  }
0x52: {  	_ =	shalt  }
0x53: {  	_ =	shalt  }
0x54: {  	_ =	shalt  }
0x55: {  	_ =	shalt  }
0x56: {  	_ =	shalt  }
0x57: {  	_ =	shalt  }
0x58: {  	_ =	shalt  }
0x59: {  	_ =	shalt  }
0x5a: {  	_ =	shalt  }
0x5b: {  	_ =	shalt  }
0x5c: {  	_ =	shalt  }
0x5d: {  	_ =	shalt  }
0x5e: {  	_ =	shalt  }
0x5f: {  	_ =	shalt  }
0x60: {  	_ =	shalt  }
0x61: {  	_ =	shalt  }
0x62: {  	_ =	shalt  }
0x63: {  	_ =	shalt  }
0x64: {  	_ =	shalt  }
0x65: {  	_ =	shalt  }
0x66: {  	_ =	shalt  }
0x67: {  	_ =	shalt  }
0x68: {  	_ =	shalt  }
0x69: {  	_ =	shalt  }
0x6a: {  	_ =	shalt  }
0x6b: {  	_ =	shalt  }
0x6c: {  	_ =	shalt  }
0x6d: {  	_ =	shalt  }
0x6e: {  	_ =	shalt  }
0x6f: {  	_ =	shalt  }
0x70: {  	_ =	shalt  }
0x71: {  	_ =	shalt  }
0x72: {  	_ =	shalt  }
0x73: {  	_ =	shalt  }
0x74: {  	_ =	shalt  }
0x75: {  	_ =	shalt  }
0x76: {  	_ =	shalt  }
0x77: {  	_ =	shalt  }
0x78: {  	_ =	shalt  }
0x79: {  	_ =	shalt  }
0x7a: {  	_ =	shalt  }
0x7b: {  	_ =	shalt  }
0x7c: {  	_ =	shalt  }
0x7d: {  	_ =	shalt  }
0x7e: {  	_ =	shalt  }
0x7f: {  	_ =	shalt  }
0x80: {  	_ =	shalt  }
0x81: {  	_ =	shalt  }
0x82: {  	_ =	shalt  }
0x83: {  	_ =	shalt  }
0x84: {  	_ =	shalt  }
0x85: {  	_ =	shalt  }
0x86: {  	_ =	shalt  }
0x87: {  	_ =	shalt  }
.Lfunc_end0:
.L_simem_size_0:
called_computation_lowered:
.L_overlay_start_0:
0x88: {  	s2 =	sld [smem:$0x3FD9]  }
0x89: {  	s3 =	sld [smem:$0x3FFE];
	_ =	sdelay $0x1  }
0x8a: {  	s1 =	srdreg.scid  }
0x8b: {  	s0 =	sand.u32 $0x1, s1  }
0x8c: {  	s18 =	sshll.u32 s0, $0xA;
	s2 =	sadd.s32 s3, s2  }
0x8d: {  	s2 =	sadd.s32 s2, s18  }
0x8e: {  	[smem:$0x3FC7] =	sst s2  }
0x8f: {  	_ = 	snop  }
0x90: {  	s2 =	sld [smem:$0x3FC9]  }
0x91: {  	s19 =	sld [smem:$0x3FD0];
	(tm) =	ssettm $0x1  }
0x92: {  	s4 =	sld [smem:$0x3FFB];
	_ =	sdelay $0x3  }
0x93: {  	_ =	strace s4  }
0x94: {  	s4 =	sld [smem:$0x3FFC];
	_ =	sdelay $0x3  }
0x95: {  	_ =	strace s4  }
0x96: {  	s4 =	sld [smem:$0x3FFD];
	_ =	sdelay $0x3  }
0x97: {  	_ =	strace s4  }
0x98: {  	_ =	strace $0x8FFFFFFF  }
0x99: {  	s20 =	sld [smem:$0x3FDB];
	_ =	sdelay $0x1  }
0x9a: {  	s5 =	simm.s32 $_scs_section_size  }
0x9b: {  	s6 =	simm.s32 $_size__tile_overlayer_lowered;
	s7 =	simm.s32 $_tile_overlayer_lowered  }
0x9c: {  	s23 =	simm.s32 $0x1BFF;
	s22 =	sshll.u32 s7, $0x1;
	s4 =	sadd.s32 s5, s20  }
0x9d: {  	s8 =	simm.s32 $0x0;
	s21 =	sshll.u32 s6, $0x1;
	s6 =	sadd.s32 s22, s4  }
0x9e: {  	[timem:s8], [sflag:s23] =	dma.local [hbm:s6], s21  }
0x9f: {  	_ =	swait.ge [sflag:s23], s21  }
0xa0: {  	s5 =	ssub.s32 $0x0, s21;
	[sflag:s23] =	ssyncset.done $0x0  }
0xa1: {  	[sflag:s23] =	ssyncadd.s32 s5;
	_ =	sdelay $0x1  }
0xa2: {  	s24 =	simm.s32 $0x1B8B  }
0xa3: {  	_ =	swait.ge [sflag:s24], $0x1  }
0xa4: {  	[sflag:s24] =	ssyncset.done $0x0  }
0xa5: {  	s25 =	simm.s32 $0x1B8E;
	[sflag:s24] =	ssyncadd.s32 $0xFFFFFFFF  }
0xa6: {  	s26 =	simm.s32 $execute0_lowered;
	[smem:$0x3FD2] =	sst s25  }
0xa7: {  	s5 =	sshll.u32 s26, $0x1;
	_ =	strace $0x80000046;
	[dreg:$0x1] =	wrdreg $0xFFFFFFFF  }
0xa8: {  	s28 =	simm.s32 $_size_execute0_lowered;
	s4 =	sadd.s32 s4, s5;
	[dreg:$0x0] =	wrdreg $0x0  }
0xa9: {  	s5 =	sshll.u32 s28, $0x1;
	[dreg:$0x2] =	wrdreg s4  }
0xaa: {  	[dreg:$0x3] =	wrdreg s5  }
0xab: {  	[dreg:$0x4] =	wrdreg $0xC0  }
0xac: {  	_ =	task [dreg:s8], $0x5FFFF  }
0xad: {  	[dreg:$0x1] =	wrdreg $0xFFFFFFFF  }
0xae: {  	[dreg:$0x0] =	wrdreg $0x60  }
0xaf: {  	[dreg:$0x2] =	wrdreg s2  }
0xb0: {  	[dreg:$0x3] =	wrdreg s19  }
0xb1: {  	[dreg:$0x4] =	wrdreg $0x9  }
0xb2: {  	_ =	task.clear_ibuf [dreg:s8], $0x5FFFF;
	_ =	strace $0x90000046  }
0xb3: {  	s29 =	simm.s32 $0x9;
	_ =	strace $0x80000048  }
0xb4: {  	_ =	swait.ge [sflag:s29], $0x1  }
0xb5: {  	[sflag:s29] =	ssyncadd.s32 $0xFFFFFFFF  }
0xb6: {  	_ =	strace $0x90000048  }
0xb7: {  	_ =	sfence  }
0xb8: {  	s30 =	sld [smem:$0x0];
	_ =	sdelay $0x2  }
0xb9: {  	s31 =	sshll.u32 s1, $0xD;
	s1 =	sshrl.u32 s1, $0x2  }
0xba: {  	s3 =	sand.u32 $0x4000, s31;
	s1 =	sadd.s32 s1, s30  }
0xbb: {  	s0 =	sor.u32 s3, s0;
	s1 =	sshll.u32 s1, $0x11  }
0xbc: {  	s0 =	sor.u32 s1, s0  }
0xbd: {  	s0 =	sadd.s32 $0x8F2B, s0  }
0xbe: {  	[sflag:s0] =	ssyncadd.remote.s32 $0x1  }
0xbf: {  	_ =	sfence.sel $0xFFFF  }
0xc0: {  	[dreg:$0x0] =	wrdreg $0xFFFFFFFF;
	(pc) =	sbr.abs _section_cstart, $3  }
0xc1: {  	[dreg:$0x1] =	wrdreg $0xFFFFFFFF  }
0xc2: {  	_ =	task.clear_ibuf [dreg:s8], $0x2FFFF;
	_ =	strace $0x9FFFFFFF  }
0xc3: {  	(tm) =	ssettm $0x7FFFFFFF  }
tec
execute0_lowered:
.L_overlay_start_1:
0x0: {  	(tag) =	ssettag $0x1  }
0x1: {  	s1 =	srdreg.scid;
	s0 =	stileid.u32  }
0x2: {  	s4 =	rddreg [dreg:$0x0];
	s3 =	sand.u32 $0x1, s1;
	s30 =	sshll.u32 s0, $0x1  }
0x3: {  	s6 =	rddreg [dreg:$0x1];
	s5 =	sor.u32 s3, s30  }
0x4: {  	s2 =	simm.s32 $0x0;
	s1 =	rddreg [dreg:$0x2];
	s7 =	smul.u32 $0x2710, s5  }
0x5: {  	s9 =	simm.s32 $0x0;
	[smem:$0x7FF] =	sst s2;
	s3 =	ssub.s32 $0x2, s3  }
0x6: {  	_ =	strace $0x80000047;
	s8 =	sshrl.u32 s3, $0x1;
	s7 =	sshrl.u32 s7, $0x3  }
0x7: {  	s5 =	smul.u32 $0x500, s5;
	s31 =	ssub.s32 s3, s8;
	s4 =	sadd.s32 s4, s7  }
0x8: {  	s8 =	simm.s32 $0x2;
	s7 =	simm.s32 $0x2710;
	s3 =	sadd.s32 $0x9C40, s4  }
0x9: {  	v0 =	vimm.f32 $0.0e+00;
	v1 =	vimm.f32 $1.000000000e+00;
	s4 =	sadd.s32 s6, s5;
	s5 =	smax.u32 s31, $0x1;
	s6 =	simm.s32 $0x1  }
.LBB2_1:
0xa: {  	[tilespmem:s2], [sflag:$0x1] =	stream.linear.gather [hbm4b:s3+s2], $0x2710, $0x38;
	[tilespmem:$0x4F10] =	vst v63  }
0xb: {  	s11 =	simm.s32 $0x100;
	s10 =	simm.s32 $0x0  }
.LBB2_2:
0xc: {  	p0 =	sne.s32 s11, $0x9F00;
	[tilespmem:s10+$0x2740] =	vst v0;
	s12 =	smov.u32 s11;
	s11 =	sadd.s32 $0x100, s11  }
.Ltmp0:
0xd: {  	[tilespmem:s10+$0x2730] =	vst v0;
	(pc) =	sbr.rel @p0 .LBB2_2-.Ltmp0, $3  }
0xe: {  	[tilespmem:s10+$0x2710] =	vst v0  }
0xf: {  	[tilespmem:s10+$0x2720] =	vst v0;
	_ =	sdelay $0x1  }
0x10: {  	s10 =	sshra.s32 s12, $0x2  }
0x11: {  	[tilespmem:s10+$0x2740] =	vst v0  }
0x12: {  	[tilespmem:s10+$0x2730] =	vst v0  }
0x13: {  	[tilespmem:s10+$0x2710] =	vst v0  }
0x14: {  	[tilespmem:s10+$0x2720] =	vst v0  }
0x15: {  	_ =	swait.ge [sflag:s6], $0x2710  }
0x16: {  	[sflag:s6] =	ssyncset.done $0x0  }
0x17: {  	s11 =	simm.s32 $0x0;
	[sflag:s6] =	ssyncadd.s32 $0xFFFFD8F0  }
0x18: {  	s10 =	simm.s32 $0x80;
	v2 =	vld [tilespmem:s11+$0x0]  }
.LBB2_4:
0x19: {  	p0 =	sne.s32 s10, $0x9B80;
	v3 =	vld [tilespmem:s11+$0x10];
	_ =	sdelay $0x4  }
.Ltmp1:
0x1a: {  	(pc) =	sbr.rel @p0 .LBB2_4-.Ltmp1, $4  }
0x1b: {  	_ = 	snop  }
0x1c: {  	[tilespmem:v2+s7+$0x0] =	vst.idx.add.f32.msk $0xffff, v1  }
0x1d: {  	s11 =	sshra.s32 s10, $0x2;
	[tilespmem:v3+s7+$0x0] =	vst.idx.add.f32.msk $0xffff, v1  }
0x1e: {  	s10 =	sadd.s32 $0x80, s10;
	v2 =	vld [tilespmem:s11+$0x0]  }
0x1f: {  	_ = 	snop  }
0x20: {  	v3 =	vld [tilespmem:s11+$0x10];
	_ =	sdelay $0x6  }
0x21: {  	[tilespmem:v2+s7+$0x0] =	vst.idx.add.f32.msk $0xffff, v1  }
0x22: {  	[tilespmem:v3+s7+$0x0] =	vst.idx.add.f32.msk $0xffff, v1  }
0x23: {  	v2 =	vld [tilespmem:$0x2700];
	_ =	sdelay $0x5  }
0x24: {  	s9 =	sadd.s32 $0x1, s9  }
0x25: {  	p0 =	sne.s32 s9, s5  }
.Ltmp2:
0x26: {  	[tilespmem:v2+s7+$0x0] =	vst.idx.add.f32.msk $0xffff, v1;
	(pc) =	sbr.rel @p0 .LBB2_1-.Ltmp2, $4  }
0x27: {  	[hbm4b:s4+s2] =	stream.linear.scatter [tilespmem:s7], [sflag:$0x2], $0x2800, $0x38;
	[tilespmem:$0x4F10] =	vst v63  }
0x28: {  	_ =	swait.ge [sflag:s8], $0x2800  }
0x29: {  	[sflag:s8] =	ssyncset.done $0x0  }
0x2a: {  	[sflag:s8] =	ssyncadd.s32 $0xFFFFD800  }
0x2b: {  	_ =	sfence.sel $0x180000  }
0x2c: {  	[bflag:$0x0] =	sbarrier.arrive $0xFFFF  }
0x2d: {  	p0 =	sne.s32 s0, $0x0;
	_ =	strace $0x90000047  }
0x2e: {  	s0 =	sadd.s32 @!p0 $0x100000, s1;
	[bflag:$0x2] =	sbarrier.arrive $0xFFFF  }
0x2f: {  	[sflag:s0] =	ssyncadd.tile.s32 @!p0 $0x1;
	_ =	shalt  }
.Lfunc_end2:
_tile_overlayer_lowered:
.L_overlay_start_2:
0x30: {  	(tag) =	ssettag $0x2  }
0x31: {  	s0 =	rddreg [dreg:$0x0];
	s2 =	stileid.u32  }
0x32: {  	s1 =	rddreg [dreg:$0x1];
	p0 =	sne.s32 s2, $0x0  }
0x33: {  	s3 =	rddreg [dreg:$0x2];
	[bflag:$0x3] =	sbarrier.arrive $0xFFFF;
	s2 =	simm.s32 @!p0 $0x1C02  }
0x34: {  	[timem:s3], [sflag:s2] =	dma.local @!p0 [hbm:s0], s1  }
0x35: {  	s0 =	simm.s32 @!p0 $0x2  }
0x36: {  	_ =	swait.ge @!p0 [sflag:s0], s1  }
0x37: {  	s1 =	ssub.s32 @!p0 $0x0, s1;
	[sflag:s0] =	ssyncset.done @!p0 $0x0  }
0x38: {  	[sflag:s0] =	ssyncadd.s32 @!p0 s1  }
0x39: {  	[bflag:$0x3] =	sbarrier.arrive $0xFFFF  }
0x3a: {  	_ =	shalt  }

</sc_bundles>
